<compile_context>
chip_gen: v7x
topology: tpu7x:2x2x1
jax: 0.10.2.dev20260603
libtpu: 0.0.44.dev20260713+nightly
codegen_flags: <defaults>
</compile_context>

<pallas_src>
import functools

import jax
import jax.numpy as jnp
from jax import lax
from jax.experimental import pallas as pl
from jax.experimental.pallas import tpu as pltpu
from jax.experimental.pallas import tpu_sc as plsc

B = 16384
NC, NS, L = 2, 16, 16
NW = NC * NS
BPW = B // NW
CHUNKS = BPW // L

_mesh = plsc.VectorSubcoreMesh(core_axis_name="c", subcore_axis_name="s")


@functools.partial(
    pl.kernel,
    mesh=_mesh,
    out_type=jax.ShapeDtypeStruct((B,), jnp.float32),
    compiler_params=pltpu.CompilerParams(
        needs_layout_passes=False,
        use_tc_tiling_on_sc=False,
    ),
    scratch_types=[
        pltpu.VMEM((64,), jnp.float32),
        pltpu.VMEM((BPW,), jnp.int32),
        pltpu.VMEM((BPW,), jnp.int32),
        pltpu.VMEM((BPW,), jnp.int32),
        pltpu.VMEM((BPW,), jnp.int32),
        pltpu.VMEM((BPW,), jnp.int32),
        pltpu.VMEM((BPW,), jnp.float32),
        pltpu.VMEM((BPW,), jnp.float32),
        pltpu.SemaphoreType.DMA,
    ],
)
def _sc_affine_lookup(period, time_ind, cate, cpa_ind, x_segment, x, table,
                      out, tab_v, p_v, t_v, c_v, q_v, s_v, x_v, o_v, sem):
    wid = lax.axis_index("s") * NC + lax.axis_index("c")
    base = wid * BPW
    half = BPW // 2
    sl_in = pl.ds(base, BPW)
    sl_a = pl.ds(base, half)
    sl_b = pl.ds(base + half, half)
    va = pl.ds(0, half)
    vb = pl.ds(half, half)
    copies = [
        pltpu.async_copy(table, tab_v, sem),
        pltpu.async_copy(period.at[sl_in], p_v, sem),
        pltpu.async_copy(time_ind.at[sl_in], t_v, sem),
        pltpu.async_copy(cate.at[sl_in], c_v, sem),
        pltpu.async_copy(cpa_ind.at[sl_in], q_v, sem),
        pltpu.async_copy(x_segment.at[sl_in], s_v, sem),
        pltpu.async_copy(x.at[sl_in], x_v, sem),
    ]
    for c in copies:
        c.wait()

    def chunk(i, carry):
        sl = pl.ds(i * L, L)
        idx = (p_v[sl] * 32 + t_v[sl] * 16 + c_v[sl] * 8
               + q_v[sl] * 4 + s_v[sl] * 2)
        scale = plsc.load_gather(tab_v, [idx])
        shift = plsc.load_gather(tab_v, [idx + 1])
        o_v[sl] = x_v[sl] * scale + shift
        return carry

    lax.fori_loop(0, CHUNKS // 2, chunk, 0)
    out0 = pltpu.async_copy(o_v.at[va], out.at[sl_a], sem)
    lax.fori_loop(CHUNKS // 2, CHUNKS, chunk, 0)
    out1 = pltpu.async_copy(o_v.at[vb], out.at[sl_b], sem)
    out0.wait()
    out1.wait()


def kernel(period, time_ind, cate, cpa_ind, x_segment, x, params):
    table = params.reshape(64).astype(jnp.float32)
    return _sc_affine_lookup(
        period.astype(jnp.int32), time_ind.astype(jnp.int32),
        cate.astype(jnp.int32), cpa_ind.astype(jnp.int32),
        x_segment.astype(jnp.int32), x.astype(jnp.float32), table)

# --- scband reference (transcript-rebuilt; emitter-appended) ---
"""Pipeline reference for scband-regression-net-10926396801367 (READ-ONLY COPY).

The authoritative reference and input builder live on the scoring server;
editing this copy changes nothing except your own understanding.
"""

import jax, jax.numpy as jnp
import numpy as np

B = 16384
PARAM_SHAPE = (2, 2, 2, 2, 2, 2)


def setup_inputs(seed: int = 0) -> dict:
    key = jax.random.key(seed)
    k1, k2, k3, k4, k5, k6 = jax.random.split(key, 6)
    period = jax.random.randint(k1, (B,), 0, 2)
    time_ind = jax.random.randint(k2, (B,), 0, 2)
    cate = jax.random.randint(k3, (B,), 0, 2)
    cpa_ind = jax.random.randint(k4, (B,), 0, 2)
    x_segment = jax.random.randint(k5, (B,), 0, 2)
    x = jax.random.normal(k6, (B,), dtype=jnp.float32)
    # Learned lookup table, matching init_kwargs params = arange(64)*0.01 reshaped to [2,2,2,2,2,2]
    params = (jnp.arange(64, dtype=jnp.float32) * 0.01).reshape(PARAM_SHAPE)
    return {
        'period': period,
        'time_ind': time_ind,
        'cate': cate,
        'cpa_ind': cpa_ind,
        'x_segment': x_segment,
        'x': x,
        'params': params,
    }


def reference(period, time_ind, cate, cpa_ind, x_segment, x, params):
    # Multi-axis advanced-index gather: val has shape [B, 2]
    val = params[period, time_ind, cate, cpa_ind, x_segment]
    return x * val[:, 0] + val[:, 1]

if __name__ == "__main__":
    import jax
    _d = setup_inputs()
    print(jax.jit(kernel)(*tuple(_d.values())))

</pallas_src>

<mosaic_0001>
#map = affine_map<(d0, d1) -> (0)>
module attributes {stable_mosaic.version = 14 : i64} {
  func.func @_sc_affine_lookup(%arg0: i32, %arg1: i32, %arg2: memref<16384xi32, #tpu.memory_space<hbm>>, %arg3: memref<16384xi32, #tpu.memory_space<hbm>>, %arg4: memref<16384xi32, #tpu.memory_space<hbm>>, %arg5: memref<16384xi32, #tpu.memory_space<hbm>>, %arg6: memref<16384xi32, #tpu.memory_space<hbm>>, %arg7: memref<16384xf32, #tpu.memory_space<hbm>>, %arg8: memref<64xf32, #tpu.memory_space<hbm>>, %arg9: memref<16384xf32, #tpu.memory_space<hbm>>, %arg10: memref<64xf32, #tpu.memory_space<vmem>>, %arg11: memref<512xi32, #tpu.memory_space<vmem>>, %arg12: memref<512xi32, #tpu.memory_space<vmem>>, %arg13: memref<512xi32, #tpu.memory_space<vmem>>, %arg14: memref<512xi32, #tpu.memory_space<vmem>>, %arg15: memref<512xi32, #tpu.memory_space<vmem>>, %arg16: memref<512xf32, #tpu.memory_space<vmem>>, %arg17: memref<512xf32, #tpu.memory_space<vmem>>, %arg18: memref<!tpu.dma_semaphore, #tpu.memory_space<semaphore_mem>>) attributes {dimension_semantics = [#tpu.dimension_semantics<core_parallel>, #tpu.dimension_semantics<subcore_parallel>], iteration_bounds = array<i64: 2, 16>, scalar_prefetch = 0 : i64, scratch_operands = 9 : i64, tpu.core_type = #tpu.core_type<sc_vector_subcore>, window_params = [{transform_indices = #map}, {transform_indices = #map}, {transform_indices = #map}, {transform_indices = #map}, {transform_indices = #map}, {transform_indices = #map}, {transform_indices = #map}, {transform_indices = #map}]} {
    %mul3A = arith.constant 2 : i32
    %mul3A_0 = arith.muli %arg1, %mul3A : i32
    %add3A = arith.addi %mul3A_0, %arg0 : i32
    %mul3A_1 = arith.constant 512 : i32
    %mul3A_2 = arith.muli %add3A, %mul3A_1 : i32
    %add3A_3 = arith.constant 256 : i32
    %add3A_4 = arith.addi %mul3A_2, %add3A_3 : i32
    tpu.enqueue_dma source(%arg8 : memref<64xf32, #tpu.memory_space<hbm>>) target(%arg10 : memref<64xf32, #tpu.memory_space<vmem>>) target_semaphore(%arg18 : memref<!tpu.dma_semaphore, #tpu.memory_space<semaphore_mem>>)
    %dma_start3A = tpu.memref_slice %arg2[%mul3A_2] : memref<16384xi32, #tpu.memory_space<hbm>> -> memref<512xi32, #tpu.memory_space<hbm>>
    %dma_start3A_5 = tpu.memref_slice %arg2[%mul3A_2] : memref<16384xi32, #tpu.memory_space<hbm>> -> memref<512xi32, #tpu.memory_space<hbm>>
    tpu.enqueue_dma source(%dma_start3A_5 : memref<512xi32, #tpu.memory_space<hbm>>) target(%arg11 : memref<512xi32, #tpu.memory_space<vmem>>) target_semaphore(%arg18 : memref<!tpu.dma_semaphore, #tpu.memory_space<semaphore_mem>>)
    %dma_start3A_6 = tpu.memref_slice %arg3[%mul3A_2] : memref<16384xi32, #tpu.memory_space<hbm>> -> memref<512xi32, #tpu.memory_space<hbm>>
    %dma_start3A_7 = tpu.memref_slice %arg3[%mul3A_2] : memref<16384xi32, #tpu.memory_space<hbm>> -> memref<512xi32, #tpu.memory_space<hbm>>
    tpu.enqueue_dma source(%dma_start3A_7 : memref<512xi32, #tpu.memory_space<hbm>>) target(%arg12 : memref<512xi32, #tpu.memory_space<vmem>>) target_semaphore(%arg18 : memref<!tpu.dma_semaphore, #tpu.memory_space<semaphore_mem>>)
    %dma_start3A_8 = tpu.memref_slice %arg4[%mul3A_2] : memref<16384xi32, #tpu.memory_space<hbm>> -> memref<512xi32, #tpu.memory_space<hbm>>
    %dma_start3A_9 = tpu.memref_slice %arg4[%mul3A_2] : memref<16384xi32, #tpu.memory_space<hbm>> -> memref<512xi32, #tpu.memory_space<hbm>>
    tpu.enqueue_dma source(%dma_start3A_9 : memref<512xi32, #tpu.memory_space<hbm>>) target(%arg13 : memref<512xi32, #tpu.memory_space<vmem>>) target_semaphore(%arg18 : memref<!tpu.dma_semaphore, #tpu.memory_space<semaphore_mem>>)
    %dma_start3A_10 = tpu.memref_slice %arg5[%mul3A_2] : memref<16384xi32, #tpu.memory_space<hbm>> -> memref<512xi32, #tpu.memory_space<hbm>>
    %dma_start3A_11 = tpu.memref_slice %arg5[%mul3A_2] : memref<16384xi32, #tpu.memory_space<hbm>> -> memref<512xi32, #tpu.memory_space<hbm>>
    tpu.enqueue_dma source(%dma_start3A_11 : memref<512xi32, #tpu.memory_space<hbm>>) target(%arg14 : memref<512xi32, #tpu.memory_space<vmem>>) target_semaphore(%arg18 : memref<!tpu.dma_semaphore, #tpu.memory_space<semaphore_mem>>)
    %dma_start3A_12 = tpu.memref_slice %arg6[%mul3A_2] : memref<16384xi32, #tpu.memory_space<hbm>> -> memref<512xi32, #tpu.memory_space<hbm>>
    %dma_start3A_13 = tpu.memref_slice %arg6[%mul3A_2] : memref<16384xi32, #tpu.memory_space<hbm>> -> memref<512xi32, #tpu.memory_space<hbm>>
    tpu.enqueue_dma source(%dma_start3A_13 : memref<512xi32, #tpu.memory_space<hbm>>) target(%arg15 : memref<512xi32, #tpu.memory_space<vmem>>) target_semaphore(%arg18 : memref<!tpu.dma_semaphore, #tpu.memory_space<semaphore_mem>>)
    %dma_start3A_14 = tpu.memref_slice %arg7[%mul3A_2] : memref<16384xf32, #tpu.memory_space<hbm>> -> memref<512xf32, #tpu.memory_space<hbm>>
    %dma_start3A_15 = tpu.memref_slice %arg7[%mul3A_2] : memref<16384xf32, #tpu.memory_space<hbm>> -> memref<512xf32, #tpu.memory_space<hbm>>
    tpu.enqueue_dma source(%dma_start3A_15 : memref<512xf32, #tpu.memory_space<hbm>>) target(%arg16 : memref<512xf32, #tpu.memory_space<vmem>>) target_semaphore(%arg18 : memref<!tpu.dma_semaphore, #tpu.memory_space<semaphore_mem>>)
    tpu.wait_dma2 semaphore(%arg18 : memref<!tpu.dma_semaphore, #tpu.memory_space<semaphore_mem>>) src(%arg8 : memref<64xf32, #tpu.memory_space<hbm>>) dst(%arg10 : memref<64xf32, #tpu.memory_space<vmem>>)
    %dma_wait3A = tpu.memref_slice %arg2[%mul3A_2] : memref<16384xi32, #tpu.memory_space<hbm>> -> memref<512xi32, #tpu.memory_space<hbm>>
    %dma_wait3A_16 = tpu.memref_slice %arg2[%mul3A_2] : memref<16384xi32, #tpu.memory_space<hbm>> -> memref<512xi32, #tpu.memory_space<hbm>>
    tpu.wait_dma2 semaphore(%arg18 : memref<!tpu.dma_semaphore, #tpu.memory_space<semaphore_mem>>) src(%dma_wait3A_16 : memref<512xi32, #tpu.memory_space<hbm>>) dst(%arg11 : memref<512xi32, #tpu.memory_space<vmem>>)
    %dma_wait3A_17 = tpu.memref_slice %arg3[%mul3A_2] : memref<16384xi32, #tpu.memory_space<hbm>> -> memref<512xi32, #tpu.memory_space<hbm>>
    %dma_wait3A_18 = tpu.memref_slice %arg3[%mul3A_2] : memref<16384xi32, #tpu.memory_space<hbm>> -> memref<512xi32, #tpu.memory_space<hbm>>
    tpu.wait_dma2 semaphore(%arg18 : memref<!tpu.dma_semaphore, #tpu.memory_space<semaphore_mem>>) src(%dma_wait3A_18 : memref<512xi32, #tpu.memory_space<hbm>>) dst(%arg12 : memref<512xi32, #tpu.memory_space<vmem>>)
    %dma_wait3A_19 = tpu.memref_slice %arg4[%mul3A_2] : memref<16384xi32, #tpu.memory_space<hbm>> -> memref<512xi32, #tpu.memory_space<hbm>>
    %dma_wait3A_20 = tpu.memref_slice %arg4[%mul3A_2] : memref<16384xi32, #tpu.memory_space<hbm>> -> memref<512xi32, #tpu.memory_space<hbm>>
    tpu.wait_dma2 semaphore(%arg18 : memref<!tpu.dma_semaphore, #tpu.memory_space<semaphore_mem>>) src(%dma_wait3A_20 : memref<512xi32, #tpu.memory_space<hbm>>) dst(%arg13 : memref<512xi32, #tpu.memory_space<vmem>>)
    %dma_wait3A_21 = tpu.memref_slice %arg5[%mul3A_2] : memref<16384xi32, #tpu.memory_space<hbm>> -> memref<512xi32, #tpu.memory_space<hbm>>
    %dma_wait3A_22 = tpu.memref_slice %arg5[%mul3A_2] : memref<16384xi32, #tpu.memory_space<hbm>> -> memref<512xi32, #tpu.memory_space<hbm>>
    tpu.wait_dma2 semaphore(%arg18 : memref<!tpu.dma_semaphore, #tpu.memory_space<semaphore_mem>>) src(%dma_wait3A_22 : memref<512xi32, #tpu.memory_space<hbm>>) dst(%arg14 : memref<512xi32, #tpu.memory_space<vmem>>)
    %dma_wait3A_23 = tpu.memref_slice %arg6[%mul3A_2] : memref<16384xi32, #tpu.memory_space<hbm>> -> memref<512xi32, #tpu.memory_space<hbm>>
    %dma_wait3A_24 = tpu.memref_slice %arg6[%mul3A_2] : memref<16384xi32, #tpu.memory_space<hbm>> -> memref<512xi32, #tpu.memory_space<hbm>>
    tpu.wait_dma2 semaphore(%arg18 : memref<!tpu.dma_semaphore, #tpu.memory_space<semaphore_mem>>) src(%dma_wait3A_24 : memref<512xi32, #tpu.memory_space<hbm>>) dst(%arg15 : memref<512xi32, #tpu.memory_space<vmem>>)
    %dma_wait3A_25 = tpu.memref_slice %arg7[%mul3A_2] : memref<16384xf32, #tpu.memory_space<hbm>> -> memref<512xf32, #tpu.memory_space<hbm>>
    %dma_wait3A_26 = tpu.memref_slice %arg7[%mul3A_2] : memref<16384xf32, #tpu.memory_space<hbm>> -> memref<512xf32, #tpu.memory_space<hbm>>
    tpu.wait_dma2 semaphore(%arg18 : memref<!tpu.dma_semaphore, #tpu.memory_space<semaphore_mem>>) src(%dma_wait3A_26 : memref<512xf32, #tpu.memory_space<hbm>>) dst(%arg16 : memref<512xf32, #tpu.memory_space<vmem>>)
    %scan3A = arith.constant 0 : i32
    %scan3A_27 = arith.constant 0 : i32
    %scan3A_28 = arith.constant 16 : i32
    %scan3A_29 = arith.addi %scan3A_27, %scan3A_28 : i32
    %scan3A_30 = arith.constant 1 : i32
    scf.for %scan3A_62 = %scan3A_27 to %scan3A_29 step %scan3A_30  : i32 {
      %mul3A_63 = arith.constant 16 : i32
      %mul3A_64 = arith.muli %scan3A_62, %mul3A_63 : i32
      %get3A = arith.index_cast %mul3A_64 : i32 to index
      %get3A_65 = tpu.vector_load %arg11[%get3A] {strides = array<i32>} : memref<512xi32, #tpu.memory_space<vmem>>, vector<16xi32>,
      %mul3A_66 = arith.constant 32 : i32
      %mul3A_67 = vector.broadcast %mul3A_66 : i32 to vector<16xi32>
      %mul3A_68 = arith.muli %get3A_65, %mul3A_67 : vector<16xi32>
      %get3A_69 = arith.index_cast %mul3A_64 : i32 to index
      %get3A_70 = tpu.vector_load %arg12[%get3A_69] {strides = array<i32>} : memref<512xi32, #tpu.memory_space<vmem>>, vector<16xi32>,
      %mul3A_71 = arith.constant 16 : i32
      %mul3A_72 = vector.broadcast %mul3A_71 : i32 to vector<16xi32>
      %mul3A_73 = arith.muli %get3A_70, %mul3A_72 : vector<16xi32>
      %add3A_74 = arith.addi %mul3A_68, %mul3A_73 : vector<16xi32>
      %get3A_75 = arith.index_cast %mul3A_64 : i32 to index
      %get3A_76 = tpu.vector_load %arg13[%get3A_75] {strides = array<i32>} : memref<512xi32, #tpu.memory_space<vmem>>, vector<16xi32>,
      %mul3A_77 = arith.constant 8 : i32
      %mul3A_78 = vector.broadcast %mul3A_77 : i32 to vector<16xi32>
      %mul3A_79 = arith.muli %get3A_76, %mul3A_78 : vector<16xi32>
      %add3A_80 = arith.addi %add3A_74, %mul3A_79 : vector<16xi32>
      %get3A_81 = arith.index_cast %mul3A_64 : i32 to index
      %get3A_82 = tpu.vector_load %arg14[%get3A_81] {strides = array<i32>} : memref<512xi32, #tpu.memory_space<vmem>>, vector<16xi32>,
      %mul3A_83 = arith.constant 4 : i32
      %mul3A_84 = vector.broadcast %mul3A_83 : i32 to vector<16xi32>
      %mul3A_85 = arith.muli %get3A_82, %mul3A_84 : vector<16xi32>
      %add3A_86 = arith.addi %add3A_80, %mul3A_85 : vector<16xi32>
      %get3A_87 = arith.index_cast %mul3A_64 : i32 to index
      %get3A_88 = tpu.vector_load %arg15[%get3A_87] {strides = array<i32>} : memref<512xi32, #tpu.memory_space<vmem>>, vector<16xi32>,
      %mul3A_89 = arith.constant 2 : i32
      %mul3A_90 = vector.broadcast %mul3A_89 : i32 to vector<16xi32>
      %mul3A_91 = arith.muli %get3A_88, %mul3A_90 : vector<16xi32>
      %add3A_92 = arith.addi %add3A_86, %mul3A_91 : vector<16xi32>
      %gather3A = tpu.vector_load_idx %arg10[%add3A_92] : memref<64xf32, #tpu.memory_space<vmem>>[vector<16xi32>], vector<16xf32>,
      %add3A_93 = arith.constant 1 : i32
      %add3A_94 = vector.broadcast %add3A_93 : i32 to vector<16xi32>
      %add3A_95 = arith.addi %add3A_92, %add3A_94 : vector<16xi32>
      %gather3A_96 = tpu.vector_load_idx %arg10[%add3A_95] : memref<64xf32, #tpu.memory_space<vmem>>[vector<16xi32>], vector<16xf32>,
      %get3A_97 = arith.index_cast %mul3A_64 : i32 to index
      %get3A_98 = tpu.vector_load %arg16[%get3A_97] {strides = array<i32>} : memref<512xf32, #tpu.memory_space<vmem>>, vector<16xf32>,
      %mul3A_99 = arith.mulf %get3A_98, %gather3A : vector<16xf32>
      %add3A_100 = arith.addf %mul3A_99, %gather3A_96 : vector<16xf32>
      %swap3A = arith.index_cast %mul3A_64 : i32 to index
      %swap3A_101 = tpu.vector_load %arg17[%swap3A] {strides = array<i32>} : memref<512xf32, #tpu.memory_space<vmem>>, vector<16xf32>,
      tpu.vector_store %arg17[%swap3A], %add3A_100 {strides = array<i32>} : memref<512xf32, #tpu.memory_space<vmem>>, vector<16xf32>,
    }
    %scan3A_31 = arith.constant 16 : i32
    %dma_start3A_32 = arith.constant 0 : i32
    %dma_start3A_33 = tpu.memref_slice %arg17[%dma_start3A_32] : memref<512xf32, #tpu.memory_space<vmem>> -> memref<256xf32, #tpu.memory_space<vmem>>
    %dma_start3A_34 = tpu.memref_slice %arg9[%mul3A_2] : memref<16384xf32, #tpu.memory_space<hbm>> -> memref<256xf32, #tpu.memory_space<hbm>>
    %dma_start3A_35 = tpu.memref_slice %arg9[%mul3A_2] : memref<16384xf32, #tpu.memory_space<hbm>> -> memref<256xf32, #tpu.memory_space<hbm>>
    %dma_start3A_36 = arith.constant 0 : i32
    %dma_start3A_37 = tpu.memref_slice %arg17[%dma_start3A_36] : memref<512xf32, #tpu.memory_space<vmem>> -> memref<256xf32, #tpu.memory_space<vmem>>
    tpu.enqueue_dma source(%dma_start3A_37 : memref<256xf32, #tpu.memory_space<vmem>>) target(%dma_start3A_35 : memref<256xf32, #tpu.memory_space<hbm>>) target_semaphore(%arg18 : memref<!tpu.dma_semaphore, #tpu.memory_space<semaphore_mem>>)
    %scan3A_38 = arith.constant 0 : i32
    %scan3A_39 = arith.constant 16 : i32
    %scan3A_40 = arith.constant 16 : i32
    %scan3A_41 = arith.addi %scan3A_39, %scan3A_40 : i32
    %scan3A_42 = arith.constant 1 : i32
    scf.for %scan3A_62 = %scan3A_39 to %scan3A_41 step %scan3A_42  : i32 {
      %mul3A_63 = arith.constant 16 : i32
      %mul3A_64 = arith.muli %scan3A_62, %mul3A_63 : i32
      %get3A = arith.index_cast %mul3A_64 : i32 to index
      %get3A_65 = tpu.vector_load %arg11[%get3A] {strides = array<i32>} : memref<512xi32, #tpu.memory_space<vmem>>, vector<16xi32>,
      %mul3A_66 = arith.constant 32 : i32
      %mul3A_67 = vector.broadcast %mul3A_66 : i32 to vector<16xi32>
      %mul3A_68 = arith.muli %get3A_65, %mul3A_67 : vector<16xi32>
      %get3A_69 = arith.index_cast %mul3A_64 : i32 to index
      %get3A_70 = tpu.vector_load %arg12[%get3A_69] {strides = array<i32>} : memref<512xi32, #tpu.memory_space<vmem>>, vector<16xi32>,
      %mul3A_71 = arith.constant 16 : i32
      %mul3A_72 = vector.broadcast %mul3A_71 : i32 to vector<16xi32>
      %mul3A_73 = arith.muli %get3A_70, %mul3A_72 : vector<16xi32>
      %add3A_74 = arith.addi %mul3A_68, %mul3A_73 : vector<16xi32>
      %get3A_75 = arith.index_cast %mul3A_64 : i32 to index
      %get3A_76 = tpu.vector_load %arg13[%get3A_75] {strides = array<i32>} : memref<512xi32, #tpu.memory_space<vmem>>, vector<16xi32>,
      %mul3A_77 = arith.constant 8 : i32
      %mul3A_78 = vector.broadcast %mul3A_77 : i32 to vector<16xi32>
      %mul3A_79 = arith.muli %get3A_76, %mul3A_78 : vector<16xi32>
      %add3A_80 = arith.addi %add3A_74, %mul3A_79 : vector<16xi32>
      %get3A_81 = arith.index_cast %mul3A_64 : i32 to index
      %get3A_82 = tpu.vector_load %arg14[%get3A_81] {strides = array<i32>} : memref<512xi32, #tpu.memory_space<vmem>>, vector<16xi32>,
      %mul3A_83 = arith.constant 4 : i32
      %mul3A_84 = vector.broadcast %mul3A_83 : i32 to vector<16xi32>
      %mul3A_85 = arith.muli %get3A_82, %mul3A_84 : vector<16xi32>
      %add3A_86 = arith.addi %add3A_80, %mul3A_85 : vector<16xi32>
      %get3A_87 = arith.index_cast %mul3A_64 : i32 to index
      %get3A_88 = tpu.vector_load %arg15[%get3A_87] {strides = array<i32>} : memref<512xi32, #tpu.memory_space<vmem>>, vector<16xi32>,
      %mul3A_89 = arith.constant 2 : i32
      %mul3A_90 = vector.broadcast %mul3A_89 : i32 to vector<16xi32>
      %mul3A_91 = arith.muli %get3A_88, %mul3A_90 : vector<16xi32>
      %add3A_92 = arith.addi %add3A_86, %mul3A_91 : vector<16xi32>
      %gather3A = tpu.vector_load_idx %arg10[%add3A_92] : memref<64xf32, #tpu.memory_space<vmem>>[vector<16xi32>], vector<16xf32>,
      %add3A_93 = arith.constant 1 : i32
      %add3A_94 = vector.broadcast %add3A_93 : i32 to vector<16xi32>
      %add3A_95 = arith.addi %add3A_92, %add3A_94 : vector<16xi32>
      %gather3A_96 = tpu.vector_load_idx %arg10[%add3A_95] : memref<64xf32, #tpu.memory_space<vmem>>[vector<16xi32>], vector<16xf32>,
      %get3A_97 = arith.index_cast %mul3A_64 : i32 to index
      %get3A_98 = tpu.vector_load %arg16[%get3A_97] {strides = array<i32>} : memref<512xf32, #tpu.memory_space<vmem>>, vector<16xf32>,
      %mul3A_99 = arith.mulf %get3A_98, %gather3A : vector<16xf32>
      %add3A_100 = arith.addf %mul3A_99, %gather3A_96 : vector<16xf32>
      %swap3A = arith.index_cast %mul3A_64 : i32 to index
      %swap3A_101 = tpu.vector_load %arg17[%swap3A] {strides = array<i32>} : memref<512xf32, #tpu.memory_space<vmem>>, vector<16xf32>,
      tpu.vector_store %arg17[%swap3A], %add3A_100 {strides = array<i32>} : memref<512xf32, #tpu.memory_space<vmem>>, vector<16xf32>,
    }
    %scan3A_43 = arith.constant 16 : i32
    %dma_start3A_44 = arith.constant 256 : i32
    %dma_start3A_45 = tpu.memref_slice %arg17[%dma_start3A_44] : memref<512xf32, #tpu.memory_space<vmem>> -> memref<256xf32, #tpu.memory_space<vmem>>
    %dma_start3A_46 = tpu.memref_slice %arg9[%add3A_4] : memref<16384xf32, #tpu.memory_space<hbm>> -> memref<256xf32, #tpu.memory_space<hbm>>
    %dma_start3A_47 = tpu.memref_slice %arg9[%add3A_4] : memref<16384xf32, #tpu.memory_space<hbm>> -> memref<256xf32, #tpu.memory_space<hbm>>
    %dma_start3A_48 = arith.constant 256 : i32
    %dma_start3A_49 = tpu.memref_slice %arg17[%dma_start3A_48] : memref<512xf32, #tpu.memory_space<vmem>> -> memref<256xf32, #tpu.memory_space<vmem>>
    tpu.enqueue_dma source(%dma_start3A_49 : memref<256xf32, #tpu.memory_space<vmem>>) target(%dma_start3A_47 : memref<256xf32, #tpu.memory_space<hbm>>) target_semaphore(%arg18 : memref<!tpu.dma_semaphore, #tpu.memory_space<semaphore_mem>>)
    %dma_wait3A_50 = arith.constant 0 : i32
    %dma_wait3A_51 = tpu.memref_slice %arg17[%dma_wait3A_50] : memref<512xf32, #tpu.memory_space<vmem>> -> memref<256xf32, #tpu.memory_space<vmem>>
    %dma_wait3A_52 = tpu.memref_slice %arg9[%mul3A_2] : memref<16384xf32, #tpu.memory_space<hbm>> -> memref<256xf32, #tpu.memory_space<hbm>>
    %dma_wait3A_53 = tpu.memref_slice %arg9[%mul3A_2] : memref<16384xf32, #tpu.memory_space<hbm>> -> memref<256xf32, #tpu.memory_space<hbm>>
    %dma_wait3A_54 = arith.constant 0 : i32
    %dma_wait3A_55 = tpu.memref_slice %arg17[%dma_wait3A_54] : memref<512xf32, #tpu.memory_space<vmem>> -> memref<256xf32, #tpu.memory_space<vmem>>
    tpu.wait_dma2 semaphore(%arg18 : memref<!tpu.dma_semaphore, #tpu.memory_space<semaphore_mem>>) src(%dma_wait3A_55 : memref<256xf32, #tpu.memory_space<vmem>>) dst(%dma_wait3A_53 : memref<256xf32, #tpu.memory_space<hbm>>)
    %dma_wait3A_56 = arith.constant 256 : i32
    %dma_wait3A_57 = tpu.memref_slice %arg17[%dma_wait3A_56] : memref<512xf32, #tpu.memory_space<vmem>> -> memref<256xf32, #tpu.memory_space<vmem>>
    %dma_wait3A_58 = tpu.memref_slice %arg9[%add3A_4] : memref<16384xf32, #tpu.memory_space<hbm>> -> memref<256xf32, #tpu.memory_space<hbm>>
    %dma_wait3A_59 = tpu.memref_slice %arg9[%add3A_4] : memref<16384xf32, #tpu.memory_space<hbm>> -> memref<256xf32, #tpu.memory_space<hbm>>
    %dma_wait3A_60 = arith.constant 256 : i32
    %dma_wait3A_61 = tpu.memref_slice %arg17[%dma_wait3A_60] : memref<512xf32, #tpu.memory_space<vmem>> -> memref<256xf32, #tpu.memory_space<vmem>>
    tpu.wait_dma2 semaphore(%arg18 : memref<!tpu.dma_semaphore, #tpu.memory_space<semaphore_mem>>) src(%dma_wait3A_61 : memref<256xf32, #tpu.memory_space<vmem>>) dst(%dma_wait3A_59 : memref<256xf32, #tpu.memory_space<hbm>>)
    return
  }
}

</mosaic_0001>

<sc_bundles>
// kernel: kernel.3.cloned.1.call-start
scs
__scs_entry_jumppad:
0x0: {  	(pc) =	sbr.rel $0x88, $3  }
0x1: {  	(tag) =	ssettag $0x0;
	lr =	simm.s32 $0x1  }
0x2: {  	[smem:$0x3F9A] =	sst lr;
	_ =	strace $0xD0000000  }
0x3: {  	_ = 	snop  }
0x4: {  	_ = 	snop  }
0x5: {  	_ = 	snop  }
0x6: {  	_ = 	snop  }
0x7: {  	_ = 	snop  }
__scs_overlays_trampoline_lowered:
0x8: {  	[smem:$0x3FA9] =	sst s0  }
0x9: {  	[smem:$0x3FAA] =	sst s1  }
0xa: {  	[smem:$0x3FAB] =	sst s2  }
0xb: {  	[smem:$0x3FAC] =	sst s3  }
0xc: {  	[smem:$0x3FAD] =	sst s4  }
0xd: {  	[smem:$0x3FAE] =	sst s5  }
0xe: {  	[smem:$0x3FAF] =	sst s6  }
0xf: {  	[smem:$0x3FB0] =	sst s7  }
0x10: {  	[smem:$0x3FB1] =	sst s8  }
0x11: {  	[smem:$0x3FB2] =	sst s9;
	s0 =	simm.s32 @!p0 $0x0  }
0x12: {  	s1 =	sld [smem:$0x3F98];
	s0 =	simm.s32 @p0 $0x1  }
0x13: {  	[smem:$0x3FB3] =	sst s0;
	s0 =	simm.s32 @!p1 $0x0  }
0x14: {  	s2 =	sld [smem:$0x3F97];
	s0 =	simm.s32 @p1 $0x1  }
0x15: {  	[smem:$0x3FB4] =	sst s0;
	s0 =	simm.s32 @!p2 $0x0  }
0x16: {  	s3 =	sld [smem:$0x3FDB];
	s0 =	simm.s32 @p2 $0x1  }
0x17: {  	s4 =	simm.s32 $0x1BF5;
	[smem:$0x3FB6] =	sst s0  }
0x18: {  	s0 =	sld [smem:$0x3F99];
	_ =	swait.ge [sflag:s4], $0x0  }
0x19: {  	s7 =	sld [smem:$0x3F9A]  }
0x1a: {  	s8 =	sadd.s32 $0xFFFFE003, lr  }
0x1b: {  	s9 =	sadd.s32 $0xFFFFFEF7, lr;
	s5 =	simm.s32 $0xFFFFFFFF;
	p2 =	slt.u32 s8, $0xFFFFF086  }
0x1c: {  	p1 =	slt.u32 s9, $0xF7A;
	s5 =	simm.s32 @!p2 $0x0  }
0x1d: {  	s5 =	simm.s32 @p1 $0x1;
	p0 =	seq.s32 s7, s2  }
0x1e: {  	s7 =	smul.u32 @!p0 $0xF7A, s2;
	p2 =	seq.s32 @!p0 s5, $0x0  }
0x1f: {  	s9 =	smul.u32 $0xF7A, s1;
	s8 =	simm.s32 @!p0 $0x1BF5;
	p2 =	por !p2, p0  }
0x20: {  	[sflag:s8] =	ssyncset.s32 @!p0 $0xFFFFF086;
	s6 =	sadd.s32 @!p0 s3, s7;
	s7 =	simm.s32 @!p0 $0x108  }
0x21: {  	s3 =	sadd.s32 s3, s9;
	s6 =	sadd.s32 @!p0 $0x88, s6;
	s7 =	simm.s32 @p2 $0x1082  }
0x22: {  	[simem:s7], [sflag:s8] =	dma.local @!p0 [hbm:s6], $0xF7A  }
0x23: {  	s9 =	sor.u32 $0xD0000000, s2;
	s6 =	simm.s32 $0x108;
	_ =	swait.ge @!p0 [sflag:s8], $0x0  }
0x24: {  	s3 =	sadd.s32 $0x88, s3;
	s6 =	simm.s32 @!p1 $0x1082;
	[sflag:s4] =	ssyncset.s32 $0xFFFFF086  }
0x25: {  	[simem:s6], [sflag:s4] =	dma.local [hbm:s3], $0xF7A  }
0x26: {  	[smem:$0x3F9A] =	sst s1;
	(tag) =	ssettag s2;
	_ =	strace s9  }
0x27: {  	s1 =	sld [smem:$0x3FAA]  }
0x28: {  	s2 =	sld [smem:$0x3FAB]  }
0x29: {  	s4 =	sld [smem:$0x3FAD]  }
0x2a: {  	p0 =	seq.s32 s5, $0x0;
	s5 =	sld [smem:$0x3FAE]  }
0x2b: {  	s6 =	sld [smem:$0x3FAF]  }
0x2c: {  	s7 =	sld [smem:$0x3FB0]  }
0x2d: {  	s3 =	simm.s32 $0x108;
	s8 =	sld [smem:$0x3FB1]  }
0x2e: {  	s3 =	simm.s32 @!p0 $0x1082;
	s9 =	sld [smem:$0x3FB2]  }
0x2f: {  	lr =	sadd.s32 s0, s3;
	s0 =	sld [smem:$0x3FA9]  }
0x30: {  	s3 =	sld [smem:$0x3FAC]  }
0x31: {  	[smem:$0x3FB5] =	sst s10  }
0x32: {  	s10 =	sld [smem:$0x3FB3];
	_ =	sdelay $0x3  }
0x33: {  	p0 =	seq.s32 s10, $0x1;
	s10 =	sld [smem:$0x3FB5];
	_ =	sdelay $0x3  }
0x34: {  	[smem:$0x3FB5] =	sst s10  }
0x35: {  	s10 =	sld [smem:$0x3FB4];
	_ =	sdelay $0x3  }
0x36: {  	p1 =	seq.s32 s10, $0x1;
	s10 =	sld [smem:$0x3FB5];
	_ =	sdelay $0x3  }
0x37: {  	[smem:$0x3FB5] =	sst s10  }
0x38: {  	s10 =	sld [smem:$0x3FB6]  }
0x39: {  	_ = 	snop;
	(pc) =	sbr.ind lr, $3  }
0x3a: {  	_ = 	snop  }
0x3b: {  	_ = 	snop  }
0x3c: {  	p2 =	seq.s32 s10, $0x1;
	s10 =	sld [smem:$0x3FB5]  }
0x3d: {  	_ =	shalt  }
0x3e: {  	_ =	shalt  }
0x3f: {  	_ =	shalt  }
0x40: {  	_ =	shalt  }
0x41: {  	_ =	shalt  }
0x42: {  	_ =	shalt  }
0x43: {  	_ =	shalt  }
0x44: {  	_ =	shalt  }
0x45: {  	_ =	shalt  }
0x46: {  	_ =	shalt  }
0x47: {  	_ =	shalt  }
0x48: {  	_ =	shalt  }
0x49: {  	_ =	shalt  }
0x4a: {  	_ =	shalt  }
0x4b: {  	_ =	shalt  }
0x4c: {  	_ =	shalt  }
0x4d: {  	_ =	shalt  }
0x4e: {  	_ =	shalt  }
0x4f: {  	_ =	shalt  }
0x50: {  	_ =	shalt  }
0x51: {  	_ =	shalt  }
0x52: {  	_ =	shalt  }
0x53: {  	_ =	shalt  }
0x54: {  	_ =	shalt  }
0x55: {  	_ =	shalt  }
0x56: {  	_ =	shalt  }
0x57: {  	_ =	shalt  }
0x58: {  	_ =	shalt  }
0x59: {  	_ =	shalt  }
0x5a: {  	_ =	shalt  }
0x5b: {  	_ =	shalt  }
0x5c: {  	_ =	shalt  }
0x5d: {  	_ =	shalt  }
0x5e: {  	_ =	shalt  }
0x5f: {  	_ =	shalt  }
0x60: {  	_ =	shalt  }
0x61: {  	_ =	shalt  }
0x62: {  	_ =	shalt  }
0x63: {  	_ =	shalt  }
0x64: {  	_ =	shalt  }
0x65: {  	_ =	shalt  }
0x66: {  	_ =	shalt  }
0x67: {  	_ =	shalt  }
0x68: {  	_ =	shalt  }
0x69: {  	_ =	shalt  }
0x6a: {  	_ =	shalt  }
0x6b: {  	_ =	shalt  }
0x6c: {  	_ =	shalt  }
0x6d: {  	_ =	shalt  }
0x6e: {  	_ =	shalt  }
0x6f: {  	_ =	shalt  }
0x70: {  	_ =	shalt  }
0x71: {  	_ =	shalt  }
0x72: {  	_ =	shalt  }
0x73: {  	_ =	shalt  }
0x74: {  	_ =	shalt  }
0x75: {  	_ =	shalt  }
0x76: {  	_ =	shalt  }
0x77: {  	_ =	shalt  }
0x78: {  	_ =	shalt  }
0x79: {  	_ =	shalt  }
0x7a: {  	_ =	shalt  }
0x7b: {  	_ =	shalt  }
0x7c: {  	_ =	shalt  }
0x7d: {  	_ =	shalt  }
0x7e: {  	_ =	shalt  }
0x7f: {  	_ =	shalt  }
0x80: {  	_ =	shalt  }
0x81: {  	_ =	shalt  }
0x82: {  	_ =	shalt  }
0x83: {  	_ =	shalt  }
0x84: {  	_ =	shalt  }
0x85: {  	_ =	shalt  }
0x86: {  	_ =	shalt  }
0x87: {  	_ =	shalt  }
.Lfunc_end0:
.L_simem_size_0:
called_computation_lowered:
.L_overlay_start_0:
0x88: {  	s2 =	sld [smem:$0x3FD9]  }
0x89: {  	s3 =	sld [smem:$0x3FFE];
	_ =	sdelay $0x1  }
0x8a: {  	s1 =	srdreg.scid  }
0x8b: {  	s0 =	sand.u32 $0x1, s1  }
0x8c: {  	s17 =	sshll.u32 s0, $0xA;
	s2 =	sadd.s32 s3, s2  }
0x8d: {  	s2 =	sadd.s32 s2, s17  }
0x8e: {  	[smem:$0x3FC1] =	sst s2  }
0x8f: {  	_ = 	snop  }
0x90: {  	s2 =	sld [smem:$0x3FC9]  }
0x91: {  	s18 =	sld [smem:$0x3FC8]  }
0x92: {  	s4 =	sld [smem:$0x3FC7]  }
0x93: {  	s5 =	sld [smem:$0x3FC6]  }
0x94: {  	s6 =	sld [smem:$0x3FC5]  }
0x95: {  	s7 =	sld [smem:$0x3FC4]  }
0x96: {  	s8 =	sld [smem:$0x3FD0];
	(tm) =	ssettm $0x1  }
0x97: {  	s9 =	sld [smem:$0x3FFB];
	_ =	sdelay $0x3  }
0x98: {  	_ =	strace s9  }
0x99: {  	s9 =	sld [smem:$0x3FFC];
	_ =	sdelay $0x3  }
0x9a: {  	_ =	strace s9  }
0x9b: {  	s9 =	sld [smem:$0x3FFD];
	_ =	sdelay $0x3  }
0x9c: {  	_ =	strace s9  }
0x9d: {  	_ =	strace $0x8FFFFFFF  }
0x9e: {  	s19 =	sld [smem:$0x3FDB];
	_ =	sdelay $0x1  }
0x9f: {  	s10 =	simm.s32 $_scs_section_size  }
0xa0: {  	s11 =	simm.s32 $_size__tile_overlayer_lowered;
	s12 =	simm.s32 $_tile_overlayer_lowered  }
0xa1: {  	s22 =	simm.s32 $0x1BFF;
	s21 =	sshll.u32 s12, $0x1;
	s9 =	sadd.s32 s10, s19  }
0xa2: {  	s13 =	simm.s32 $0x0;
	s20 =	sshll.u32 s11, $0x1;
	s11 =	sadd.s32 s21, s9  }
0xa3: {  	[timem:s13], [sflag:s22] =	dma.local [hbm:s11], s20  }
0xa4: {  	_ =	swait.ge [sflag:s22], s20  }
0xa5: {  	s10 =	ssub.s32 $0x0, s20;
	[sflag:s22] =	ssyncset.done $0x0  }
0xa6: {  	[sflag:s22] =	ssyncadd.s32 s10;
	_ =	sdelay $0x1  }
0xa7: {  	s23 =	simm.s32 $0x1B8B  }
0xa8: {  	_ =	swait.ge [sflag:s23], $0x1  }
0xa9: {  	[sflag:s23] =	ssyncset.done $0x0  }
0xaa: {  	s25 =	simm.s32 $0x1B8E;
	s24 =	sld [smem:$0x3FFE];
	[sflag:s23] =	ssyncadd.s32 $0xFFFFFFFF  }
0xab: {  	s26 =	simm.s32 $execute0_lowered;
	[smem:$0x3FD2] =	sst s25  }
0xac: {  	s11 =	sshll.u32 s26, $0x1;
	_ =	strace $0x80000046;
	[dreg:$0x1] =	wrdreg $0xFFFFFFFF  }
0xad: {  	s28 =	simm.s32 $_size_execute0_lowered;
	s9 =	sadd.s32 s9, s11;
	[dreg:$0x0] =	wrdreg $0x0  }
0xae: {  	s11 =	sshll.u32 s28, $0x1;
	[dreg:$0x2] =	wrdreg s9  }
0xaf: {  	[dreg:$0x3] =	wrdreg s11  }
0xb0: {  	[dreg:$0x4] =	wrdreg $0xC0  }
0xb1: {  	_ =	task [dreg:s13], $0x5FFFF  }
0xb2: {  	[dreg:$0x1] =	wrdreg $0xFFFFFFFF  }
0xb3: {  	[dreg:$0x0] =	wrdreg $0x60  }
0xb4: {  	[dreg:$0x2] =	wrdreg s2  }
0xb5: {  	[dreg:$0x3] =	wrdreg s18  }
0xb6: {  	[dreg:$0x4] =	wrdreg s4  }
0xb7: {  	[dreg:$0x5] =	wrdreg s5  }
0xb8: {  	[dreg:$0x6] =	wrdreg s6  }
0xb9: {  	[dreg:$0x7] =	wrdreg s7  }
0xba: {  	[dreg:$0x8] =	wrdreg s24  }
0xbb: {  	[dreg:$0x9] =	wrdreg s8  }
0xbc: {  	[dreg:$0xa] =	wrdreg $0x9  }
0xbd: {  	_ =	task.clear_ibuf [dreg:s13], $0xBFFFF;
	_ =	strace $0x90000046  }
0xbe: {  	s29 =	simm.s32 $0x9;
	_ =	strace $0x80000048  }
0xbf: {  	_ =	swait.ge [sflag:s29], $0x1  }
0xc0: {  	[sflag:s29] =	ssyncadd.s32 $0xFFFFFFFF  }
0xc1: {  	_ =	strace $0x90000048  }
0xc2: {  	_ =	sfence  }
0xc3: {  	s30 =	sld [smem:$0x0];
	_ =	sdelay $0x2  }
0xc4: {  	s31 =	sshll.u32 s1, $0xD;
	s1 =	sshrl.u32 s1, $0x2  }
0xc5: {  	s3 =	sand.u32 $0x4000, s31;
	s1 =	sadd.s32 s1, s30  }
0xc6: {  	s0 =	sor.u32 s3, s0;
	s1 =	sshll.u32 s1, $0x11  }
0xc7: {  	s0 =	sor.u32 s1, s0  }
0xc8: {  	s0 =	sadd.s32 $0x8F2B, s0  }
0xc9: {  	[sflag:s0] =	ssyncadd.remote.s32 $0x1  }
0xca: {  	_ =	sfence.sel $0xFFFF  }
0xcb: {  	[dreg:$0x0] =	wrdreg $0xFFFFFFFF;
	(pc) =	sbr.abs _section_cstart, $3  }
0xcc: {  	[dreg:$0x1] =	wrdreg $0xFFFFFFFF  }
0xcd: {  	_ =	task.clear_ibuf [dreg:s13], $0x2FFFF;
	_ =	strace $0x9FFFFFFF  }
0xce: {  	(tm) =	ssettm $0x7FFFFFFF  }
0xcf: {  	_ =	shalt  }
tec
execute0_lowered:
.L_overlay_start_1:
0x0: {  	(tag) =	ssettag $0x1  }
0x1: {  	s4 =	rddreg [dreg:$0x0]  }
0x2: {  	s5 =	rddreg [dreg:$0x1]  }
0x3: {  	s6 =	rddreg [dreg:$0x2]  }
0x4: {  	s7 =	rddreg [dreg:$0x3]  }
0x5: {  	s8 =	rddreg [dreg:$0x4]  }
0x6: {  	s9 =	rddreg [dreg:$0x5]  }
0x7: {  	s3 =	rddreg [dreg:$0x6]  }
0x8: {  	s10 =	rddreg [dreg:$0x7]  }
0x9: {  	s0 =	rddreg [dreg:$0x8];
	s2 =	simm.s32 $0x0;
	s11 =	srdreg.scid  }
0xa: {  	s1 =	stileid.u32;
	s15 =	simm.s32 $0x440;
	s16 =	simm.s32 $0x640  }
0xb: {  	s17 =	simm.s32 $0x840;
	s18 =	simm.s32 $0xA40;
	s19 =	simm.s32 $0x1  }
0xc: {  	s20 =	simm.s32 $0xC40;
	s21 =	simm.s32 $0xD40;
	s22 =	simm.s32 $0x0  }
0xd: {  	[smem:$0x7FF] =	sst s2;
	s11 =	sand.u32 $0x1, s11;
	s13 =	sshll.u32 s1, $0x7  }
0xe: {  	s3 =	sadd.s32 $0x400, s3;
	s12 =	ssub.s32 $0x2, s11;
	s11 =	sshll.u32 s11, $0x6  }
0xf: {  	_ =	strace $0x80000047;
	s14 =	sshrl.u32 s12, $0x1;
	s11 =	sor.u32 s11, s13  }
0x10: {  	s13 =	simm.s32 $0x40;
	s12 =	ssub.s32 s12, s14;
	s4 =	sadd.s32 s4, s11  }
0x11: {  	s5 =	sadd.s32 s5, s11;
	s6 =	sadd.s32 s6, s11;
	s7 =	sadd.s32 s7, s11  }
0x12: {  	s8 =	sadd.s32 s8, s11;
	s9 =	sadd.s32 s9, s11;
	s10 =	sadd.s32 s10, s11  }
0x13: {  	s14 =	simm.s32 $0x240;
	s11 =	sadd.s32 $0x20, s10;
	s12 =	smax.u32 s12, $0x1  }
.LBB2_1:
0x14: {  	[tilespmem:s2], [sflag:$0x1] =	stream.linear.gather [hbm4b:s3+s2], $0x40, $0x38;
	[tilespmem:$0xE40] =	vst v63  }
0x15: {  	_ = 	snop  }
0x16: {  	[tilespmem:s13], [sflag:$0x1] =	stream.linear.gather [hbm4b:s4+s2], $0x200, $0x38;
	[tilespmem:$0xE40] =	vst v63  }
0x17: {  	_ = 	snop  }
0x18: {  	[tilespmem:s14], [sflag:$0x1] =	stream.linear.gather [hbm4b:s5+s2], $0x200, $0x38;
	[tilespmem:$0xE40] =	vst v63  }
0x19: {  	_ = 	snop  }
0x1a: {  	[tilespmem:s15], [sflag:$0x1] =	stream.linear.gather [hbm4b:s6+s2], $0x200, $0x38;
	[tilespmem:$0xE40] =	vst v63  }
0x1b: {  	_ = 	snop  }
0x1c: {  	[tilespmem:s16], [sflag:$0x1] =	stream.linear.gather [hbm4b:s7+s2], $0x200, $0x38;
	[tilespmem:$0xE40] =	vst v63  }
0x1d: {  	_ = 	snop  }
0x1e: {  	[tilespmem:s17], [sflag:$0x1] =	stream.linear.gather [hbm4b:s8+s2], $0x200, $0x38;
	[tilespmem:$0xE40] =	vst v63  }
0x1f: {  	_ = 	snop  }
0x20: {  	[tilespmem:s18], [sflag:$0x1] =	stream.linear.gather [hbm4b:s9+s2], $0x200, $0x38;
	[tilespmem:$0xE40] =	vst v63  }
0x21: {  	_ =	swait.ge [sflag:s19], $0x40  }
0x22: {  	[sflag:s19] =	ssyncset.done $0x0  }
0x23: {  	[sflag:s19] =	ssyncadd.s32 $0xFFFFFFC0  }
0x24: {  	_ =	swait.ge [sflag:s19], $0x200  }
0x25: {  	[sflag:s19] =	ssyncset.done $0x0  }
0x26: {  	[sflag:s19] =	ssyncadd.s32 $0xFFFFFE00  }
0x27: {  	_ =	swait.ge [sflag:s19], $0x200  }
0x28: {  	[sflag:s19] =	ssyncset.done $0x0  }
0x29: {  	[sflag:s19] =	ssyncadd.s32 $0xFFFFFE00  }
0x2a: {  	_ =	swait.ge [sflag:s19], $0x200  }
0x2b: {  	[sflag:s19] =	ssyncset.done $0x0  }
0x2c: {  	[sflag:s19] =	ssyncadd.s32 $0xFFFFFE00  }
0x2d: {  	_ =	swait.ge [sflag:s19], $0x200  }
0x2e: {  	[sflag:s19] =	ssyncset.done $0x0  }
0x2f: {  	[sflag:s19] =	ssyncadd.s32 $0xFFFFFE00  }
0x30: {  	_ =	swait.ge [sflag:s19], $0x200  }
0x31: {  	[sflag:s19] =	ssyncset.done $0x0  }
0x32: {  	[sflag:s19] =	ssyncadd.s32 $0xFFFFFE00  }
0x33: {  	_ =	swait.ge [sflag:s19], $0x200  }
0x34: {  	[sflag:s19] =	ssyncset.done $0x0  }
0x35: {  	s24 =	simm.s32 $0x0;
	[sflag:s19] =	ssyncadd.s32 $0xFFFFFE00  }
0x36: {  	v0 =	vld [tilespmem:s24+$0x40]  }
0x37: {  	v1 =	vld [tilespmem:s24+$0x240]  }
0x38: {  	v2 =	vld [tilespmem:s24+$0x440]  }
0x39: {  	v3 =	vld [tilespmem:s24+$0x640]  }
0x3a: {  	v4 =	vld [tilespmem:s24+$0x840];
	_ =	sdelay $0x1  }
0x3b: {  	v0 =	vshll.u32 v0, $0x5;
	v1 =	vshll.u32 v1, $0x4  }
0x3c: {  	v0 =	vadd.s32 v0, v1;
	v1 =	vshll.u32 v2, $0x3  }
0x3d: {  	s23 =	simm.s32 $0x10;
	v0 =	vadd.s32 v1, v0;
	v1 =	vshll.u32 v3, $0x2  }
0x3e: {  	v6 =	vld [tilespmem:s23+$0x640];
	v0 =	vadd.s32 v1, v0;
	v1 =	vshll.u32 v4, $0x1  }
0x3f: {  	v3 =	vld [tilespmem:s23+$0x240];
	v0 =	vadd.s32 v1, v0  }
0x40: {  	v1 =	vld [tilespmem:s23+$0x40]  }
0x41: {  	v8 =	vld [tilespmem:s24+$0xA40];
	v5 =	vor.u32 $0x1, v0  }
0x42: {  	v4 =	vld [tilespmem:s23+$0x440]  }
0x43: {  	v2 =	vld [tilespmem:s23+$0x840]  }
0x44: {  	v7 =	vld.idx.msk [tilespmem:v0+s2+$0x0], $0xffff  }
0x45: {  	v0 =	vshll.u32 v1, $0x5;
	v1 =	vshll.u32 v3, $0x4  }
0x46: {  	v0 =	vadd.s32 v0, v1;
	v1 =	vld.idx.msk [tilespmem:v5+s2+$0x0], $0xffff  }
0x47: {  	v3 =	vshll.u32 v4, $0x3  }
0x48: {  	s25 =	simm.s32 $0x20;
	v0 =	vadd.s32 v3, v0;
	v3 =	vshll.u32 v6, $0x2  }
0x49: {  	v2 =	vshll.u32 v2, $0x1;
	v3 =	vadd.s32 v3, v0;
	v0 =	vld [tilespmem:s25+$0x840];
	v4 =	vmul.f32 v8, v7  }
0x4a: {  	s26 =	simm.s32 $0xC0;
	v3 =	vadd.s32 v2, v3;
	v2 =	vld [tilespmem:s25+$0x40]  }
.LBB2_2:
0x4b: {  	p0 =	sne.s32 s26, $0x3C0;
	v5 =	vld [tilespmem:s25+$0x240];
	v6 =	vor.u32 $0x1, v3;
	v1 =	vadd.f32 v4, v1  }
0x4c: {  	v4 =	vld [tilespmem:s25+$0x440]  }
0x4d: {  	v7 =	vld [tilespmem:s25+$0x640];
	[tilespmem:s24+$0xC40] =	vst v1;
	s24 =	smov.u32 s23;
	s23 =	smov.u32 s25  }
0x4e: {  	v8 =	vld.idx.msk [tilespmem:v3+s2+$0x0], $0xffff  }
0x4f: {  	v9 =	vld [tilespmem:s24+$0xA40]  }
0x50: {  	v2 =	vshll.u32 v2, $0x5;
	v3 =	vshll.u32 v5, $0x4;
	v1 =	vld.idx.msk [tilespmem:v6+s2+$0x0], $0xffff  }
.Ltmp0:
0x51: {  	v2 =	vadd.s32 v2, v3;
	v3 =	vshll.u32 v4, $0x3;
	(pc) =	sbr.rel @p0 .LBB2_2-.Ltmp0, $4  }
0x52: {  	v2 =	vadd.s32 v3, v2;
	v3 =	vshll.u32 v7, $0x2  }
0x53: {  	s25 =	sshra.s32 s26, $0x2;
	v2 =	vadd.s32 v3, v2;
	v3 =	vshll.u32 v0, $0x1  }
0x54: {  	v0 =	vld [tilespmem:s25+$0x840];
	v3 =	vadd.s32 v3, v2;
	v4 =	vmul.f32 v9, v8  }
0x55: {  	s26 =	sadd.s32 $0x40, s26;
	v2 =	vld [tilespmem:s25+$0x40]  }
0x56: {  	_ = 	snop  }
0x57: {  	v5 =	vld [tilespmem:s25+$0x240];
	v1 =	vadd.f32 v4, v1  }
0x58: {  	v4 =	vld [tilespmem:s25+$0x440];
	v6 =	vor.u32 $0x1, v3  }
0x59: {  	v7 =	vld [tilespmem:s25+$0x640];
	[tilespmem:s24+$0xC40] =	vst v1  }
0x5a: {  	v1 =	vld.idx.msk [tilespmem:v3+s2+$0x0], $0xffff  }
0x5b: {  	v3 =	vld [tilespmem:s23+$0xA40];
	_ =	sdelay $0x1  }
0x5c: {  	v2 =	vshll.u32 v2, $0x5;
	v5 =	vshll.u32 v5, $0x4;
	v6 =	vld.idx.msk [tilespmem:v6+s2+$0x0], $0xffff  }
0x5d: {  	v4 =	vshll.u32 v4, $0x3;
	v2 =	vadd.s32 v2, v5  }
0x5e: {  	v2 =	vadd.s32 v4, v2;
	v4 =	vshll.u32 v7, $0x2  }
0x5f: {  	v0 =	vshll.u32 v0, $0x1;
	v2 =	vadd.s32 v4, v2;
	v1 =	vmul.f32 v3, v1  }
0x60: {  	v0 =	vadd.s32 v0, v2  }
0x61: {  	v1 =	vadd.f32 v1, v6  }
0x62: {  	v2 =	vor.u32 $0x1, v0  }
0x63: {  	[tilespmem:s23+$0xC40] =	vst v1  }
0x64: {  	v1 =	vld [tilespmem:s25+$0xA40]  }
0x65: {  	v0 =	vld.idx.msk [tilespmem:v0+s2+$0x0], $0xffff;
	_ =	sdelay $0x1  }
0x66: {  	v2 =	vld.idx.msk [tilespmem:v2+s2+$0x0], $0xffff;
	_ =	sdelay $0x2  }
0x67: {  	v0 =	vmul.f32 v1, v0;
	_ =	sdelay $0x1  }
0x68: {  	v0 =	vadd.f32 v0, v2;
	_ =	sdelay $0x1  }
0x69: {  	s24 =	simm.s32 $0x100;
	[tilespmem:s25+$0xC40] =	vst v0  }
0x6a: {  	[hbm4b:s10+s2] =	stream.linear.scatter [tilespmem:s20], [sflag:$0x1], $0x100, $0x38;
	[tilespmem:$0xE40] =	vst v63  }
0x6b: {  	v0 =	vld [tilespmem:s24+$0x40]  }
0x6c: {  	v1 =	vld [tilespmem:s24+$0x240]  }
0x6d: {  	v2 =	vld [tilespmem:s24+$0x440]  }
0x6e: {  	v3 =	vld [tilespmem:s24+$0x640]  }
0x6f: {  	v4 =	vld [tilespmem:s24+$0x840];
	_ =	sdelay $0x1  }
0x70: {  	v0 =	vshll.u32 v0, $0x5;
	v1 =	vshll.u32 v1, $0x4  }
0x71: {  	v0 =	vadd.s32 v0, v1;
	v1 =	vshll.u32 v2, $0x3  }
0x72: {  	s23 =	simm.s32 $0x110;
	v0 =	vadd.s32 v1, v0;
	v1 =	vshll.u32 v3, $0x2  }
0x73: {  	v6 =	vld [tilespmem:s23+$0x640];
	v0 =	vadd.s32 v1, v0;
	v1 =	vshll.u32 v4, $0x1  }
0x74: {  	v3 =	vld [tilespmem:s23+$0x240];
	v0 =	vadd.s32 v1, v0  }
0x75: {  	v1 =	vld [tilespmem:s23+$0x40]  }
0x76: {  	v8 =	vld [tilespmem:s24+$0xA40];
	v5 =	vor.u32 $0x1, v0  }
0x77: {  	v4 =	vld [tilespmem:s23+$0x440]  }
0x78: {  	v2 =	vld [tilespmem:s23+$0x840]  }
0x79: {  	v7 =	vld.idx.msk [tilespmem:v0+s2+$0x0], $0xffff  }
0x7a: {  	v0 =	vshll.u32 v1, $0x5;
	v1 =	vshll.u32 v3, $0x4  }
0x7b: {  	v0 =	vadd.s32 v0, v1;
	v1 =	vld.idx.msk [tilespmem:v5+s2+$0x0], $0xffff  }
0x7c: {  	v3 =	vshll.u32 v4, $0x3  }
0x7d: {  	s25 =	simm.s32 $0x120;
	v0 =	vadd.s32 v3, v0;
	v3 =	vshll.u32 v6, $0x2  }
0x7e: {  	v2 =	vshll.u32 v2, $0x1;
	v3 =	vadd.s32 v3, v0;
	v0 =	vld [tilespmem:s25+$0x840];
	v4 =	vmul.f32 v8, v7  }
0x7f: {  	s26 =	simm.s32 $0x4C0;
	v3 =	vadd.s32 v2, v3;
	v2 =	vld [tilespmem:s25+$0x40]  }
.LBB2_4:
0x80: {  	p0 =	sne.s32 s26, $0x7C0;
	v5 =	vld [tilespmem:s25+$0x240];
	v6 =	vor.u32 $0x1, v3;
	v1 =	vadd.f32 v4, v1  }
0x81: {  	v4 =	vld [tilespmem:s25+$0x440]  }
0x82: {  	v7 =	vld [tilespmem:s25+$0x640];
	[tilespmem:s24+$0xC40] =	vst v1;
	s24 =	smov.u32 s23;
	s23 =	smov.u32 s25  }
0x83: {  	v8 =	vld.idx.msk [tilespmem:v3+s2+$0x0], $0xffff  }
0x84: {  	v9 =	vld [tilespmem:s24+$0xA40]  }
0x85: {  	v2 =	vshll.u32 v2, $0x5;
	v3 =	vshll.u32 v5, $0x4;
	v1 =	vld.idx.msk [tilespmem:v6+s2+$0x0], $0xffff  }
.Ltmp1:
0x86: {  	v2 =	vadd.s32 v2, v3;
	v3 =	vshll.u32 v4, $0x3;
	(pc) =	sbr.rel @p0 .LBB2_4-.Ltmp1, $4  }
0x87: {  	v2 =	vadd.s32 v3, v2;
	v3 =	vshll.u32 v7, $0x2  }
0x88: {  	s25 =	sshra.s32 s26, $0x2;
	v2 =	vadd.s32 v3, v2;
	v3 =	vshll.u32 v0, $0x1  }
0x89: {  	v0 =	vld [tilespmem:s25+$0x840];
	v3 =	vadd.s32 v3, v2;
	v4 =	vmul.f32 v9, v8  }
0x8a: {  	s26 =	sadd.s32 $0x40, s26;
	v2 =	vld [tilespmem:s25+$0x40]  }
0x8b: {  	_ = 	snop  }
0x8c: {  	v5 =	vld [tilespmem:s25+$0x240];
	v1 =	vadd.f32 v4, v1  }
0x8d: {  	v61 =	vld [tilespmem:s25+$0x440];
	v6 =	vor.u32 $0x1, v3  }
0x8e: {  	v7 =	vld [tilespmem:s25+$0x640];
	[tilespmem:s24+$0xC40] =	vst v1  }
0x8f: {  	v1 =	vld.idx.msk [tilespmem:v3+s2+$0x0], $0xffff  }
0x90: {  	v62 =	vld [tilespmem:s23+$0xA40];
	_ =	sdelay $0x1  }
0x91: {  	v2 =	vshll.u32 v2, $0x5;
	v5 =	vshll.u32 v5, $0x4;
	v6 =	vld.idx.msk [tilespmem:v6+s2+$0x0], $0xffff  }
0x92: {  	v4 =	vshll.u32 v61, $0x3;
	v2 =	vadd.s32 v2, v5  }
0x93: {  	v63 =	vshll.u32 v7, $0x2;
	v2 =	vadd.s32 v4, v2  }
0x94: {  	v0 =	vshll.u32 v0, $0x1;
	v2 =	vadd.s32 v63, v2;
	v1 =	vmul.f32 v62, v1  }
0x95: {  	v0 =	vadd.s32 v0, v2  }
0x96: {  	v1 =	vadd.f32 v1, v6  }
0x97: {  	v2 =	vor.u32 $0x1, v0  }
0x98: {  	[tilespmem:s23+$0xC40] =	vst v1  }
0x99: {  	v1 =	vld [tilespmem:s25+$0xA40]  }
0x9a: {  	v0 =	vld.idx.msk [tilespmem:v0+s2+$0x0], $0xffff;
	_ =	sdelay $0x1  }
0x9b: {  	v2 =	vld.idx.msk [tilespmem:v2+s2+$0x0], $0xffff;
	_ =	sdelay $0x2  }
0x9c: {  	v0 =	vmul.f32 v1, v0;
	_ =	sdelay $0x1  }
0x9d: {  	v0 =	vadd.f32 v0, v2;
	_ =	sdelay $0x1  }
0x9e: {  	s22 =	sadd.s32 $0x1, s22;
	[tilespmem:s25+$0xC40] =	vst v0  }
0x9f: {  	[hbm4b:s11+s2] =	stream.linear.scatter [tilespmem:s21], [sflag:$0x1], $0x100, $0x38;
	[tilespmem:$0xE40] =	vst v63  }
0xa0: {  	p0 =	sne.s32 s22, s12;
	_ =	swait.ge [sflag:s19], $0x100  }
.Ltmp2:
0xa1: {  	[sflag:s19] =	ssyncset.done $0x0;
	(pc) =	sbr.rel @p0 .LBB2_1-.Ltmp2, $4  }
0xa2: {  	[sflag:s19] =	ssyncadd.s32 $0xFFFFFF00  }
0xa3: {  	_ =	swait.ge [sflag:s19], $0x100  }
0xa4: {  	[sflag:s19] =	ssyncset.done $0x0  }
0xa5: {  	[sflag:s19] =	ssyncadd.s32 $0xFFFFFF00  }
0xa6: {  	_ =	sfence.sel $0x180000  }
0xa7: {  	[bflag:$0x0] =	sbarrier.arrive $0xFFFF  }
0xa8: {  	p0 =	sne.s32 s1, $0x0;
	_ =	strace $0x90000047  }
0xa9: {  	s0 =	sadd.s32 @!p0 $0x100000, s0;
	[bflag:$0x2] =	sbarrier.arrive $0xFFFF  }
0xaa: {  	[sflag:s0] =	ssyncadd.tile.s32 @!p0 $0x1;
	_ =	shalt  }
.Lfunc_end2:
_tile_overlayer_lowered:
.L_overlay_start_2:
0xab: {  	(tag) =	ssettag $0x2  }
0xac: {  	s0 =	rddreg [dreg:$0x0];
	s2 =	stileid.u32  }
0xad: {  	s1 =	rddreg [dreg:$0x1];
	p0 =	sne.s32 s2, $0x0  }
0xae: {  	s3 =	rddreg [dreg:$0x2];
	[bflag:$0x3] =	sbarrier.arrive $0xFFFF;
	s2 =	simm.s32 @!p0 $0x1C02  }
0xaf: {  	[timem:s3], [sflag:s2] =	dma.local @!p0 [hbm:s0], s1  }
0xb0: {  	s0 =	simm.s32 @!p0 $0x2  }
0xb1: {  	_ =	swait.ge @!p0 [sflag:s0], s1  }
0xb2: {  	s1 =	ssub.s32 @!p0 $0x0, s1;
	[sflag:s0] =	ssyncset.done @!p0 $0x0  }
0xb3: {  	[sflag:s0] =	ssyncadd.s32 @!p0 s1  }
0xb4: {  	[bflag:$0x3] =	sbarrier.arrive $0xFFFF  }
0xb5: {  	_ =	shalt  }

</sc_bundles>
